<compile_context>
chip_gen: v7x
topology: tpu7x:2x2x1
jax: 0.10.2.dev20260603
libtpu: 0.0.44.dev20260713+nightly
codegen_flags: <defaults>
</compile_context>

<pallas_src>
import functools

import jax
import jax.numpy as jnp
from jax import lax
from jax.experimental import pallas as pl
from jax.experimental.pallas import tpu as pltpu
from jax.experimental.pallas import tpu_sc as plsc

B = 16384
ED = 64
TD = 32
NC = 2
NS = 16
NW = NC * NS
BPW = B // NW
CHUNK = 128
NCH = BPW // CHUNK

_mesh = plsc.VectorSubcoreMesh(core_axis_name="c", subcore_axis_name="s")


@functools.partial(
    pl.kernel,
    out_type=(
        jax.ShapeDtypeStruct((B // CHUNK, CHUNK, ED), jnp.float32),
        jax.ShapeDtypeStruct((B // CHUNK, CHUNK, TD), jnp.float32),
    ),
    mesh=_mesh,
    compiler_params=pltpu.CompilerParams(use_tc_tiling_on_sc=False),
    scratch_types=[
        pltpu.VMEM((NCH, CHUNK), jnp.int32),
        pltpu.VMEM((NCH, CHUNK), jnp.int32),
        pltpu.VMEM((NCH, CHUNK, ED), jnp.float32),
        pltpu.VMEM((NCH, CHUNK, TD), jnp.float32),
        pltpu.SemaphoreType.DMA,
        pltpu.SemaphoreType.DMA,
    ],
)
def _sc_gather(ent_hbm, typ_hbm, eidx_hbm, tidx_hbm, ent_out, typ_out,
               eidx_v, tidx_v, erows_v, trows_v, esem, tsem):
    wid = lax.axis_index("s") * NC + lax.axis_index("c")
    row0 = wid * NCH
    pltpu.sync_copy(eidx_hbm.at[pl.ds(row0, NCH)], eidx_v)
    pltpu.sync_copy(tidx_hbm.at[pl.ds(row0, NCH)], tidx_v)
    copies = []
    for j in range(NCH):
        copies.append(pltpu.async_copy(ent_hbm.at[eidx_v.at[j]], erows_v.at[j], esem))
        copies.append(pltpu.async_copy(typ_hbm.at[tidx_v.at[j]], trows_v.at[j], tsem))
    for c in copies:
        c.wait()
    pltpu.sync_copy(erows_v, ent_out.at[pl.ds(row0, NCH)])
    pltpu.sync_copy(trows_v, typ_out.at[pl.ds(row0, NCH)])


def _score_body(e_ref, t_ref, m_ref, g_ref, o_ref):
    s = jnp.dot(e_ref[...], m_ref[...], preferred_element_type=jnp.float32)
    s = s - t_ref[...]
    o_ref[...] = g_ref[0, 0] - jnp.sqrt(jnp.sum(s * s, axis=1, keepdims=True))


_score = pl.pallas_call(
    _score_body,
    out_shape=jax.ShapeDtypeStruct((B, 1), jnp.float32),
)


@jax.jit
def kernel(sample, entity_embedding, type_embedding, M, gamma):
    eidx = sample[:, 0].reshape(B // CHUNK, CHUNK)
    tidx = sample[:, 1].reshape(B // CHUNK, CHUNK)
    ent_rows, typ_rows = _sc_gather(entity_embedding, type_embedding, eidx, tidx)
    g = jnp.reshape(gamma, (1, 1)).astype(jnp.float32)
    return _score(ent_rows.reshape(B, ED), typ_rows.reshape(B, TD), M, g)

# --- scband reference (transcript-rebuilt; emitter-appended) ---
"""Pipeline reference for scband-e2-tmodel-12008728559949 (READ-ONLY COPY).

The authoritative reference and input builder live on the scoring server;
editing this copy changes nothing except your own understanding.
"""

import jax, jax.numpy as jnp
import numpy as np

NENTITY = 1000000
NTYPE = 100000
ENTITY_DIM = 64
TYPE_DIM = 32
GAMMA = 12.0
EPSILON = 2.0
BATCH = 16384
EMB_RANGE = (GAMMA + EPSILON) / TYPE_DIM


def setup_inputs(seed: int = 0) -> dict:
    key = jax.random.key(seed)
    k1, k2, k3, k4 = jax.random.split(key, 4)
    # sample[:,0] -> entity index, sample[:,1] -> type index; bound by NTYPE so both are in-range
    sample = jax.random.randint(k1, (BATCH, 2), 0, NTYPE, dtype=jnp.int32)
    entity_embedding = jax.random.normal(k2, (NENTITY, ENTITY_DIM), dtype=jnp.float32)
    type_embedding = jax.random.uniform(k3, (NTYPE, TYPE_DIM), minval=-EMB_RANGE, maxval=EMB_RANGE, dtype=jnp.float32)
    M = jax.random.uniform(k4, (ENTITY_DIM, TYPE_DIM), minval=-EMB_RANGE, maxval=EMB_RANGE, dtype=jnp.float32)
    gamma = jnp.float32(GAMMA)
    return {"sample": sample, "entity_embedding": entity_embedding, "type_embedding": type_embedding, "M": M, "gamma": gamma}


def reference(sample, entity_embedding, type_embedding, M, gamma):
    # mode == 'single'
    entity_feature = jnp.take(entity_embedding, sample[:, 0], axis=0)[:, None, :]  # [B, 1, entity_dim]
    type_feature = jnp.take(type_embedding, sample[:, 1], axis=0)[:, None, :]      # [B, 1, type_dim]
    # E2Tscore
    score = jnp.matmul(entity_feature, M) - type_feature                           # [B, 1, type_dim]
    score = gamma - jnp.sqrt(jnp.sum(score * score, axis=2))                       # [B, 1] (L2 norm over dim 2)
    return score

if __name__ == "__main__":
    import jax
    _d = setup_inputs()
    print(jax.jit(kernel)(*tuple(_d.values())))

</pallas_src>

<mosaic_0001>
#map = affine_map<(d0, d1) -> (0, 0)>
#map1 = affine_map<(d0, d1) -> (0, 0, 0)>
module attributes {stable_mosaic.version = 14 : i64} {
  func.func @_sc_gather(%arg0: i32, %arg1: i32, %arg2: memref<1000000x64xf32, #tpu.memory_space<hbm>>, %arg3: memref<100000x32xf32, #tpu.memory_space<hbm>>, %arg4: memref<128x128xi32, #tpu.memory_space<hbm>>, %arg5: memref<128x128xi32, #tpu.memory_space<hbm>>, %arg6: memref<128x128x64xf32, #tpu.memory_space<hbm>>, %arg7: memref<128x128x32xf32, #tpu.memory_space<hbm>>, %arg8: memref<4x128xi32, #tpu.memory_space<vmem>>, %arg9: memref<4x128xi32, #tpu.memory_space<vmem>>, %arg10: memref<4x128x64xf32, #tpu.memory_space<vmem>>, %arg11: memref<4x128x32xf32, #tpu.memory_space<vmem>>, %arg12: memref<!tpu.dma_semaphore, #tpu.memory_space<semaphore_mem>>, %arg13: memref<!tpu.dma_semaphore, #tpu.memory_space<semaphore_mem>>) attributes {dimension_semantics = [#tpu.dimension_semantics<core_parallel>, #tpu.dimension_semantics<subcore_parallel>], iteration_bounds = array<i64: 2, 16>, scalar_prefetch = 0 : i64, scratch_operands = 6 : i64, tpu.core_type = #tpu.core_type<sc_vector_subcore>, window_params = [{transform_indices = #map}, {transform_indices = #map}, {transform_indices = #map}, {transform_indices = #map}, {transform_indices = #map1}, {transform_indices = #map1}]} {
    %mul3A = arith.constant 2 : i32
    %mul3A_0 = arith.muli %arg1, %mul3A : i32
    %add3A = arith.addi %mul3A_0, %arg0 : i32
    %mul3A_1 = arith.constant 4 : i32
    %mul3A_2 = arith.muli %add3A, %mul3A_1 : i32
    "tpu.region"() ({
      %run_scoped3A = tpu.sem_alloc : memref<!tpu.dma_semaphore, #tpu.memory_space<semaphore_mem>>
      %dma_start3A_193 = arith.constant 0 : i32
      %dma_start3A_194 = tpu.memref_slice %arg4[%mul3A_2, %dma_start3A_193] : memref<128x128xi32, #tpu.memory_space<hbm>> -> memref<4x128xi32, #tpu.memory_space<hbm>>
      %dma_start3A_195 = arith.constant 0 : i32
      %dma_start3A_196 = tpu.memref_slice %arg4[%mul3A_2, %dma_start3A_195] : memref<128x128xi32, #tpu.memory_space<hbm>> -> memref<4x128xi32, #tpu.memory_space<hbm>>
      tpu.enqueue_dma source(%dma_start3A_196 : memref<4x128xi32, #tpu.memory_space<hbm>>) target(%arg8 : memref<4x128xi32, #tpu.memory_space<vmem>>) target_semaphore(%run_scoped3A : memref<!tpu.dma_semaphore, #tpu.memory_space<semaphore_mem>>)
      %dma_wait3A_197 = arith.constant 0 : i32
      %dma_wait3A_198 = tpu.memref_slice %arg4[%mul3A_2, %dma_wait3A_197] : memref<128x128xi32, #tpu.memory_space<hbm>> -> memref<4x128xi32, #tpu.memory_space<hbm>>
      %dma_wait3A_199 = arith.constant 0 : i32
      %dma_wait3A_200 = tpu.memref_slice %arg4[%mul3A_2, %dma_wait3A_199] : memref<128x128xi32, #tpu.memory_space<hbm>> -> memref<4x128xi32, #tpu.memory_space<hbm>>
      tpu.wait_dma2 semaphore(%run_scoped3A : memref<!tpu.dma_semaphore, #tpu.memory_space<semaphore_mem>>) src(%dma_wait3A_200 : memref<4x128xi32, #tpu.memory_space<hbm>>) dst(%arg8 : memref<4x128xi32, #tpu.memory_space<vmem>>)
      tpu.yield
    }) : () -> ()
    "tpu.region"() ({
      %run_scoped3A = tpu.sem_alloc : memref<!tpu.dma_semaphore, #tpu.memory_space<semaphore_mem>>
      %dma_start3A_193 = arith.constant 0 : i32
      %dma_start3A_194 = tpu.memref_slice %arg5[%mul3A_2, %dma_start3A_193] : memref<128x128xi32, #tpu.memory_space<hbm>> -> memref<4x128xi32, #tpu.memory_space<hbm>>
      %dma_start3A_195 = arith.constant 0 : i32
      %dma_start3A_196 = tpu.memref_slice %arg5[%mul3A_2, %dma_start3A_195] : memref<128x128xi32, #tpu.memory_space<hbm>> -> memref<4x128xi32, #tpu.memory_space<hbm>>
      tpu.enqueue_dma source(%dma_start3A_196 : memref<4x128xi32, #tpu.memory_space<hbm>>) target(%arg9 : memref<4x128xi32, #tpu.memory_space<vmem>>) target_semaphore(%run_scoped3A : memref<!tpu.dma_semaphore, #tpu.memory_space<semaphore_mem>>)
      %dma_wait3A_197 = arith.constant 0 : i32
      %dma_wait3A_198 = tpu.memref_slice %arg5[%mul3A_2, %dma_wait3A_197] : memref<128x128xi32, #tpu.memory_space<hbm>> -> memref<4x128xi32, #tpu.memory_space<hbm>>
      %dma_wait3A_199 = arith.constant 0 : i32
      %dma_wait3A_200 = tpu.memref_slice %arg5[%mul3A_2, %dma_wait3A_199] : memref<128x128xi32, #tpu.memory_space<hbm>> -> memref<4x128xi32, #tpu.memory_space<hbm>>
      tpu.wait_dma2 semaphore(%run_scoped3A : memref<!tpu.dma_semaphore, #tpu.memory_space<semaphore_mem>>) src(%dma_wait3A_200 : memref<4x128xi32, #tpu.memory_space<hbm>>) dst(%arg9 : memref<4x128xi32, #tpu.memory_space<vmem>>)
      tpu.yield
    }) : () -> ()
    %dma_start3A = arith.constant 0 : i32
    %dma_start3A_3 = arith.constant 0 : i32
    %dma_start3A_4 = arith.constant 0 : i32
    %dma_start3A_5 = arith.constant 0 : i32
    %dma_start3A_6 = tpu.memref_slice %arg10[%dma_start3A_3, %dma_start3A_4, %dma_start3A_5] : memref<4x128x64xf32, #tpu.memory_space<vmem>> -> memref<1x128x64xf32, #tpu.memory_space<vmem>>
    %dma_start3A_7 = tpu.memref_squeeze %dma_start3A_6 : memref<1x128x64xf32, #tpu.memory_space<vmem>> -> memref<128x64xf32, #tpu.memory_space<vmem>>
    %dma_start3A_8 = arith.constant 0 : i32
    %dma_start3A_9 = tpu.memref_slice %arg8[%dma_start3A, %dma_start3A_8] : memref<4x128xi32, #tpu.memory_space<vmem>> -> memref<1x128xi32, #tpu.memory_space<vmem>>
    %dma_start3A_10 = tpu.memref_squeeze %dma_start3A_9 : memref<1x128xi32, #tpu.memory_space<vmem>> -> memref<128xi32, #tpu.memory_space<vmem>>
    %dma_start3A_11 = arith.constant 0 : i32
    %dma_start3A_12 = arith.constant 0 : i32
    %dma_start3A_13 = tpu.memref_slice %arg2[%dma_start3A_11, %dma_start3A_12] : memref<1000000x64xf32, #tpu.memory_space<hbm>> -> memref<1000000x64xf32, #tpu.memory_space<hbm>>
    tpu.enqueue_indirect_dma source(%dma_start3A_13 : memref<1000000x64xf32, #tpu.memory_space<hbm>>) target(%dma_start3A_7 : memref<128x64xf32, #tpu.memory_space<vmem>>) offsets(%dma_start3A_10 : memref<128xi32, #tpu.memory_space<vmem>>) semaphore(%arg12 : memref<!tpu.dma_semaphore, #tpu.memory_space<semaphore_mem>>)
    %dma_start3A_14 = arith.constant 0 : i32
    %dma_start3A_15 = arith.constant 0 : i32
    %dma_start3A_16 = arith.constant 0 : i32
    %dma_start3A_17 = arith.constant 0 : i32
    %dma_start3A_18 = tpu.memref_slice %arg11[%dma_start3A_15, %dma_start3A_16, %dma_start3A_17] : memref<4x128x32xf32, #tpu.memory_space<vmem>> -> memref<1x128x32xf32, #tpu.memory_space<vmem>>
    %dma_start3A_19 = tpu.memref_squeeze %dma_start3A_18 : memref<1x128x32xf32, #tpu.memory_space<vmem>> -> memref<128x32xf32, #tpu.memory_space<vmem>>
    %dma_start3A_20 = arith.constant 0 : i32
    %dma_start3A_21 = tpu.memref_slice %arg9[%dma_start3A_14, %dma_start3A_20] : memref<4x128xi32, #tpu.memory_space<vmem>> -> memref<1x128xi32, #tpu.memory_space<vmem>>
    %dma_start3A_22 = tpu.memref_squeeze %dma_start3A_21 : memref<1x128xi32, #tpu.memory_space<vmem>> -> memref<128xi32, #tpu.memory_space<vmem>>
    %dma_start3A_23 = arith.constant 0 : i32
    %dma_start3A_24 = arith.constant 0 : i32
    %dma_start3A_25 = tpu.memref_slice %arg3[%dma_start3A_23, %dma_start3A_24] : memref<100000x32xf32, #tpu.memory_space<hbm>> -> memref<100000x32xf32, #tpu.memory_space<hbm>>
    tpu.enqueue_indirect_dma source(%dma_start3A_25 : memref<100000x32xf32, #tpu.memory_space<hbm>>) target(%dma_start3A_19 : memref<128x32xf32, #tpu.memory_space<vmem>>) offsets(%dma_start3A_22 : memref<128xi32, #tpu.memory_space<vmem>>) semaphore(%arg13 : memref<!tpu.dma_semaphore, #tpu.memory_space<semaphore_mem>>)
    %dma_start3A_26 = arith.constant 1 : i32
    %dma_start3A_27 = arith.constant 1 : i32
    %dma_start3A_28 = arith.constant 0 : i32
    %dma_start3A_29 = arith.constant 0 : i32
    %dma_start3A_30 = tpu.memref_slice %arg10[%dma_start3A_27, %dma_start3A_28, %dma_start3A_29] : memref<4x128x64xf32, #tpu.memory_space<vmem>> -> memref<1x128x64xf32, #tpu.memory_space<vmem>>
    %dma_start3A_31 = tpu.memref_squeeze %dma_start3A_30 : memref<1x128x64xf32, #tpu.memory_space<vmem>> -> memref<128x64xf32, #tpu.memory_space<vmem>>
    %dma_start3A_32 = arith.constant 0 : i32
    %dma_start3A_33 = tpu.memref_slice %arg8[%dma_start3A_26, %dma_start3A_32] : memref<4x128xi32, #tpu.memory_space<vmem>> -> memref<1x128xi32, #tpu.memory_space<vmem>>
    %dma_start3A_34 = tpu.memref_squeeze %dma_start3A_33 : memref<1x128xi32, #tpu.memory_space<vmem>> -> memref<128xi32, #tpu.memory_space<vmem>>
    %dma_start3A_35 = arith.constant 0 : i32
    %dma_start3A_36 = arith.constant 0 : i32
    %dma_start3A_37 = tpu.memref_slice %arg2[%dma_start3A_35, %dma_start3A_36] : memref<1000000x64xf32, #tpu.memory_space<hbm>> -> memref<1000000x64xf32, #tpu.memory_space<hbm>>
    tpu.enqueue_indirect_dma source(%dma_start3A_37 : memref<1000000x64xf32, #tpu.memory_space<hbm>>) target(%dma_start3A_31 : memref<128x64xf32, #tpu.memory_space<vmem>>) offsets(%dma_start3A_34 : memref<128xi32, #tpu.memory_space<vmem>>) semaphore(%arg12 : memref<!tpu.dma_semaphore, #tpu.memory_space<semaphore_mem>>)
    %dma_start3A_38 = arith.constant 1 : i32
    %dma_start3A_39 = arith.constant 1 : i32
    %dma_start3A_40 = arith.constant 0 : i32
    %dma_start3A_41 = arith.constant 0 : i32
    %dma_start3A_42 = tpu.memref_slice %arg11[%dma_start3A_39, %dma_start3A_40, %dma_start3A_41] : memref<4x128x32xf32, #tpu.memory_space<vmem>> -> memref<1x128x32xf32, #tpu.memory_space<vmem>>
    %dma_start3A_43 = tpu.memref_squeeze %dma_start3A_42 : memref<1x128x32xf32, #tpu.memory_space<vmem>> -> memref<128x32xf32, #tpu.memory_space<vmem>>
    %dma_start3A_44 = arith.constant 0 : i32
    %dma_start3A_45 = tpu.memref_slice %arg9[%dma_start3A_38, %dma_start3A_44] : memref<4x128xi32, #tpu.memory_space<vmem>> -> memref<1x128xi32, #tpu.memory_space<vmem>>
    %dma_start3A_46 = tpu.memref_squeeze %dma_start3A_45 : memref<1x128xi32, #tpu.memory_space<vmem>> -> memref<128xi32, #tpu.memory_space<vmem>>
    %dma_start3A_47 = arith.constant 0 : i32
    %dma_start3A_48 = arith.constant 0 : i32
    %dma_start3A_49 = tpu.memref_slice %arg3[%dma_start3A_47, %dma_start3A_48] : memref<100000x32xf32, #tpu.memory_space<hbm>> -> memref<100000x32xf32, #tpu.memory_space<hbm>>
    tpu.enqueue_indirect_dma source(%dma_start3A_49 : memref<100000x32xf32, #tpu.memory_space<hbm>>) target(%dma_start3A_43 : memref<128x32xf32, #tpu.memory_space<vmem>>) offsets(%dma_start3A_46 : memref<128xi32, #tpu.memory_space<vmem>>) semaphore(%arg13 : memref<!tpu.dma_semaphore, #tpu.memory_space<semaphore_mem>>)
    %dma_start3A_50 = arith.constant 2 : i32
    %dma_start3A_51 = arith.constant 2 : i32
    %dma_start3A_52 = arith.constant 0 : i32
    %dma_start3A_53 = arith.constant 0 : i32
    %dma_start3A_54 = tpu.memref_slice %arg10[%dma_start3A_51, %dma_start3A_52, %dma_start3A_53] : memref<4x128x64xf32, #tpu.memory_space<vmem>> -> memref<1x128x64xf32, #tpu.memory_space<vmem>>
    %dma_start3A_55 = tpu.memref_squeeze %dma_start3A_54 : memref<1x128x64xf32, #tpu.memory_space<vmem>> -> memref<128x64xf32, #tpu.memory_space<vmem>>
    %dma_start3A_56 = arith.constant 0 : i32
    %dma_start3A_57 = tpu.memref_slice %arg8[%dma_start3A_50, %dma_start3A_56] : memref<4x128xi32, #tpu.memory_space<vmem>> -> memref<1x128xi32, #tpu.memory_space<vmem>>
    %dma_start3A_58 = tpu.memref_squeeze %dma_start3A_57 : memref<1x128xi32, #tpu.memory_space<vmem>> -> memref<128xi32, #tpu.memory_space<vmem>>
    %dma_start3A_59 = arith.constant 0 : i32
    %dma_start3A_60 = arith.constant 0 : i32
    %dma_start3A_61 = tpu.memref_slice %arg2[%dma_start3A_59, %dma_start3A_60] : memref<1000000x64xf32, #tpu.memory_space<hbm>> -> memref<1000000x64xf32, #tpu.memory_space<hbm>>
    tpu.enqueue_indirect_dma source(%dma_start3A_61 : memref<1000000x64xf32, #tpu.memory_space<hbm>>) target(%dma_start3A_55 : memref<128x64xf32, #tpu.memory_space<vmem>>) offsets(%dma_start3A_58 : memref<128xi32, #tpu.memory_space<vmem>>) semaphore(%arg12 : memref<!tpu.dma_semaphore, #tpu.memory_space<semaphore_mem>>)
    %dma_start3A_62 = arith.constant 2 : i32
    %dma_start3A_63 = arith.constant 2 : i32
    %dma_start3A_64 = arith.constant 0 : i32
    %dma_start3A_65 = arith.constant 0 : i32
    %dma_start3A_66 = tpu.memref_slice %arg11[%dma_start3A_63, %dma_start3A_64, %dma_start3A_65] : memref<4x128x32xf32, #tpu.memory_space<vmem>> -> memref<1x128x32xf32, #tpu.memory_space<vmem>>
    %dma_start3A_67 = tpu.memref_squeeze %dma_start3A_66 : memref<1x128x32xf32, #tpu.memory_space<vmem>> -> memref<128x32xf32, #tpu.memory_space<vmem>>
    %dma_start3A_68 = arith.constant 0 : i32
    %dma_start3A_69 = tpu.memref_slice %arg9[%dma_start3A_62, %dma_start3A_68] : memref<4x128xi32, #tpu.memory_space<vmem>> -> memref<1x128xi32, #tpu.memory_space<vmem>>
    %dma_start3A_70 = tpu.memref_squeeze %dma_start3A_69 : memref<1x128xi32, #tpu.memory_space<vmem>> -> memref<128xi32, #tpu.memory_space<vmem>>
    %dma_start3A_71 = arith.constant 0 : i32
    %dma_start3A_72 = arith.constant 0 : i32
    %dma_start3A_73 = tpu.memref_slice %arg3[%dma_start3A_71, %dma_start3A_72] : memref<100000x32xf32, #tpu.memory_space<hbm>> -> memref<100000x32xf32, #tpu.memory_space<hbm>>
    tpu.enqueue_indirect_dma source(%dma_start3A_73 : memref<100000x32xf32, #tpu.memory_space<hbm>>) target(%dma_start3A_67 : memref<128x32xf32, #tpu.memory_space<vmem>>) offsets(%dma_start3A_70 : memref<128xi32, #tpu.memory_space<vmem>>) semaphore(%arg13 : memref<!tpu.dma_semaphore, #tpu.memory_space<semaphore_mem>>)
    %dma_start3A_74 = arith.constant 3 : i32
    %dma_start3A_75 = arith.constant 3 : i32
    %dma_start3A_76 = arith.constant 0 : i32
    %dma_start3A_77 = arith.constant 0 : i32
    %dma_start3A_78 = tpu.memref_slice %arg10[%dma_start3A_75, %dma_start3A_76, %dma_start3A_77] : memref<4x128x64xf32, #tpu.memory_space<vmem>> -> memref<1x128x64xf32, #tpu.memory_space<vmem>>
    %dma_start3A_79 = tpu.memref_squeeze %dma_start3A_78 : memref<1x128x64xf32, #tpu.memory_space<vmem>> -> memref<128x64xf32, #tpu.memory_space<vmem>>
    %dma_start3A_80 = arith.constant 0 : i32
    %dma_start3A_81 = tpu.memref_slice %arg8[%dma_start3A_74, %dma_start3A_80] : memref<4x128xi32, #tpu.memory_space<vmem>> -> memref<1x128xi32, #tpu.memory_space<vmem>>
    %dma_start3A_82 = tpu.memref_squeeze %dma_start3A_81 : memref<1x128xi32, #tpu.memory_space<vmem>> -> memref<128xi32, #tpu.memory_space<vmem>>
    %dma_start3A_83 = arith.constant 0 : i32
    %dma_start3A_84 = arith.constant 0 : i32
    %dma_start3A_85 = tpu.memref_slice %arg2[%dma_start3A_83, %dma_start3A_84] : memref<1000000x64xf32, #tpu.memory_space<hbm>> -> memref<1000000x64xf32, #tpu.memory_space<hbm>>
    tpu.enqueue_indirect_dma source(%dma_start3A_85 : memref<1000000x64xf32, #tpu.memory_space<hbm>>) target(%dma_start3A_79 : memref<128x64xf32, #tpu.memory_space<vmem>>) offsets(%dma_start3A_82 : memref<128xi32, #tpu.memory_space<vmem>>) semaphore(%arg12 : memref<!tpu.dma_semaphore, #tpu.memory_space<semaphore_mem>>)
    %dma_start3A_86 = arith.constant 3 : i32
    %dma_start3A_87 = arith.constant 3 : i32
    %dma_start3A_88 = arith.constant 0 : i32
    %dma_start3A_89 = arith.constant 0 : i32
    %dma_start3A_90 = tpu.memref_slice %arg11[%dma_start3A_87, %dma_start3A_88, %dma_start3A_89] : memref<4x128x32xf32, #tpu.memory_space<vmem>> -> memref<1x128x32xf32, #tpu.memory_space<vmem>>
    %dma_start3A_91 = tpu.memref_squeeze %dma_start3A_90 : memref<1x128x32xf32, #tpu.memory_space<vmem>> -> memref<128x32xf32, #tpu.memory_space<vmem>>
    %dma_start3A_92 = arith.constant 0 : i32
    %dma_start3A_93 = tpu.memref_slice %arg9[%dma_start3A_86, %dma_start3A_92] : memref<4x128xi32, #tpu.memory_space<vmem>> -> memref<1x128xi32, #tpu.memory_space<vmem>>
    %dma_start3A_94 = tpu.memref_squeeze %dma_start3A_93 : memref<1x128xi32, #tpu.memory_space<vmem>> -> memref<128xi32, #tpu.memory_space<vmem>>
    %dma_start3A_95 = arith.constant 0 : i32
    %dma_start3A_96 = arith.constant 0 : i32
    %dma_start3A_97 = tpu.memref_slice %arg3[%dma_start3A_95, %dma_start3A_96] : memref<100000x32xf32, #tpu.memory_space<hbm>> -> memref<100000x32xf32, #tpu.memory_space<hbm>>
    tpu.enqueue_indirect_dma source(%dma_start3A_97 : memref<100000x32xf32, #tpu.memory_space<hbm>>) target(%dma_start3A_91 : memref<128x32xf32, #tpu.memory_space<vmem>>) offsets(%dma_start3A_94 : memref<128xi32, #tpu.memory_space<vmem>>) semaphore(%arg13 : memref<!tpu.dma_semaphore, #tpu.memory_space<semaphore_mem>>)
    %dma_wait3A = arith.constant 0 : i32
    %dma_wait3A_98 = arith.constant 0 : i32
    %dma_wait3A_99 = arith.constant 0 : i32
    %dma_wait3A_100 = arith.constant 0 : i32
    %dma_wait3A_101 = tpu.memref_slice %arg10[%dma_wait3A_98, %dma_wait3A_99, %dma_wait3A_100] : memref<4x128x64xf32, #tpu.memory_space<vmem>> -> memref<1x128x64xf32, #tpu.memory_space<vmem>>
    %dma_wait3A_102 = tpu.memref_squeeze %dma_wait3A_101 : memref<1x128x64xf32, #tpu.memory_space<vmem>> -> memref<128x64xf32, #tpu.memory_space<vmem>>
    %dma_wait3A_103 = arith.constant 0 : i32
    %dma_wait3A_104 = tpu.memref_slice %arg8[%dma_wait3A, %dma_wait3A_103] : memref<4x128xi32, #tpu.memory_space<vmem>> -> memref<1x128xi32, #tpu.memory_space<vmem>>
    %dma_wait3A_105 = tpu.memref_squeeze %dma_wait3A_104 : memref<1x128xi32, #tpu.memory_space<vmem>> -> memref<128xi32, #tpu.memory_space<vmem>>
    %dma_wait3A_106 = arith.constant 0 : i32
    %dma_wait3A_107 = arith.constant 0 : i32
    %dma_wait3A_108 = tpu.memref_slice %arg2[%dma_wait3A_106, %dma_wait3A_107] : memref<1000000x64xf32, #tpu.memory_space<hbm>> -> memref<1000000x64xf32, #tpu.memory_space<hbm>>
    tpu.wait_indirect_dma semaphore(%arg12 : memref<!tpu.dma_semaphore, #tpu.memory_space<semaphore_mem>>) src(%dma_wait3A_108 : memref<1000000x64xf32, #tpu.memory_space<hbm>>) dst(%dma_wait3A_102 : memref<128x64xf32, #tpu.memory_space<vmem>>)
    %dma_wait3A_109 = arith.constant 0 : i32
    %dma_wait3A_110 = arith.constant 0 : i32
    %dma_wait3A_111 = arith.constant 0 : i32
    %dma_wait3A_112 = arith.constant 0 : i32
    %dma_wait3A_113 = tpu.memref_slice %arg11[%dma_wait3A_110, %dma_wait3A_111, %dma_wait3A_112] : memref<4x128x32xf32, #tpu.memory_space<vmem>> -> memref<1x128x32xf32, #tpu.memory_space<vmem>>
    %dma_wait3A_114 = tpu.memref_squeeze %dma_wait3A_113 : memref<1x128x32xf32, #tpu.memory_space<vmem>> -> memref<128x32xf32, #tpu.memory_space<vmem>>
    %dma_wait3A_115 = arith.constant 0 : i32
    %dma_wait3A_116 = tpu.memref_slice %arg9[%dma_wait3A_109, %dma_wait3A_115] : memref<4x128xi32, #tpu.memory_space<vmem>> -> memref<1x128xi32, #tpu.memory_space<vmem>>
    %dma_wait3A_117 = tpu.memref_squeeze %dma_wait3A_116 : memref<1x128xi32, #tpu.memory_space<vmem>> -> memref<128xi32, #tpu.memory_space<vmem>>
    %dma_wait3A_118 = arith.constant 0 : i32
    %dma_wait3A_119 = arith.constant 0 : i32
    %dma_wait3A_120 = tpu.memref_slice %arg3[%dma_wait3A_118, %dma_wait3A_119] : memref<100000x32xf32, #tpu.memory_space<hbm>> -> memref<100000x32xf32, #tpu.memory_space<hbm>>
    tpu.wait_indirect_dma semaphore(%arg13 : memref<!tpu.dma_semaphore, #tpu.memory_space<semaphore_mem>>) src(%dma_wait3A_120 : memref<100000x32xf32, #tpu.memory_space<hbm>>) dst(%dma_wait3A_114 : memref<128x32xf32, #tpu.memory_space<vmem>>)
    %dma_wait3A_121 = arith.constant 1 : i32
    %dma_wait3A_122 = arith.constant 1 : i32
    %dma_wait3A_123 = arith.constant 0 : i32
    %dma_wait3A_124 = arith.constant 0 : i32
    %dma_wait3A_125 = tpu.memref_slice %arg10[%dma_wait3A_122, %dma_wait3A_123, %dma_wait3A_124] : memref<4x128x64xf32, #tpu.memory_space<vmem>> -> memref<1x128x64xf32, #tpu.memory_space<vmem>>
    %dma_wait3A_126 = tpu.memref_squeeze %dma_wait3A_125 : memref<1x128x64xf32, #tpu.memory_space<vmem>> -> memref<128x64xf32, #tpu.memory_space<vmem>>
    %dma_wait3A_127 = arith.constant 0 : i32
    %dma_wait3A_128 = tpu.memref_slice %arg8[%dma_wait3A_121, %dma_wait3A_127] : memref<4x128xi32, #tpu.memory_space<vmem>> -> memref<1x128xi32, #tpu.memory_space<vmem>>
    %dma_wait3A_129 = tpu.memref_squeeze %dma_wait3A_128 : memref<1x128xi32, #tpu.memory_space<vmem>> -> memref<128xi32, #tpu.memory_space<vmem>>
    %dma_wait3A_130 = arith.constant 0 : i32
    %dma_wait3A_131 = arith.constant 0 : i32
    %dma_wait3A_132 = tpu.memref_slice %arg2[%dma_wait3A_130, %dma_wait3A_131] : memref<1000000x64xf32, #tpu.memory_space<hbm>> -> memref<1000000x64xf32, #tpu.memory_space<hbm>>
    tpu.wait_indirect_dma semaphore(%arg12 : memref<!tpu.dma_semaphore, #tpu.memory_space<semaphore_mem>>) src(%dma_wait3A_132 : memref<1000000x64xf32, #tpu.memory_space<hbm>>) dst(%dma_wait3A_126 : memref<128x64xf32, #tpu.memory_space<vmem>>)
    %dma_wait3A_133 = arith.constant 1 : i32
    %dma_wait3A_134 = arith.constant 1 : i32
    %dma_wait3A_135 = arith.constant 0 : i32
    %dma_wait3A_136 = arith.constant 0 : i32
    %dma_wait3A_137 = tpu.memref_slice %arg11[%dma_wait3A_134, %dma_wait3A_135, %dma_wait3A_136] : memref<4x128x32xf32, #tpu.memory_space<vmem>> -> memref<1x128x32xf32, #tpu.memory_space<vmem>>
    %dma_wait3A_138 = tpu.memref_squeeze %dma_wait3A_137 : memref<1x128x32xf32, #tpu.memory_space<vmem>> -> memref<128x32xf32, #tpu.memory_space<vmem>>
    %dma_wait3A_139 = arith.constant 0 : i32
    %dma_wait3A_140 = tpu.memref_slice %arg9[%dma_wait3A_133, %dma_wait3A_139] : memref<4x128xi32, #tpu.memory_space<vmem>> -> memref<1x128xi32, #tpu.memory_space<vmem>>
    %dma_wait3A_141 = tpu.memref_squeeze %dma_wait3A_140 : memref<1x128xi32, #tpu.memory_space<vmem>> -> memref<128xi32, #tpu.memory_space<vmem>>
    %dma_wait3A_142 = arith.constant 0 : i32
    %dma_wait3A_143 = arith.constant 0 : i32
    %dma_wait3A_144 = tpu.memref_slice %arg3[%dma_wait3A_142, %dma_wait3A_143] : memref<100000x32xf32, #tpu.memory_space<hbm>> -> memref<100000x32xf32, #tpu.memory_space<hbm>>
    tpu.wait_indirect_dma semaphore(%arg13 : memref<!tpu.dma_semaphore, #tpu.memory_space<semaphore_mem>>) src(%dma_wait3A_144 : memref<100000x32xf32, #tpu.memory_space<hbm>>) dst(%dma_wait3A_138 : memref<128x32xf32, #tpu.memory_space<vmem>>)
    %dma_wait3A_145 = arith.constant 2 : i32
    %dma_wait3A_146 = arith.constant 2 : i32
    %dma_wait3A_147 = arith.constant 0 : i32
    %dma_wait3A_148 = arith.constant 0 : i32
    %dma_wait3A_149 = tpu.memref_slice %arg10[%dma_wait3A_146, %dma_wait3A_147, %dma_wait3A_148] : memref<4x128x64xf32, #tpu.memory_space<vmem>> -> memref<1x128x64xf32, #tpu.memory_space<vmem>>
    %dma_wait3A_150 = tpu.memref_squeeze %dma_wait3A_149 : memref<1x128x64xf32, #tpu.memory_space<vmem>> -> memref<128x64xf32, #tpu.memory_space<vmem>>
    %dma_wait3A_151 = arith.constant 0 : i32
    %dma_wait3A_152 = tpu.memref_slice %arg8[%dma_wait3A_145, %dma_wait3A_151] : memref<4x128xi32, #tpu.memory_space<vmem>> -> memref<1x128xi32, #tpu.memory_space<vmem>>
    %dma_wait3A_153 = tpu.memref_squeeze %dma_wait3A_152 : memref<1x128xi32, #tpu.memory_space<vmem>> -> memref<128xi32, #tpu.memory_space<vmem>>
    %dma_wait3A_154 = arith.constant 0 : i32
    %dma_wait3A_155 = arith.constant 0 : i32
    %dma_wait3A_156 = tpu.memref_slice %arg2[%dma_wait3A_154, %dma_wait3A_155] : memref<1000000x64xf32, #tpu.memory_space<hbm>> -> memref<1000000x64xf32, #tpu.memory_space<hbm>>
    tpu.wait_indirect_dma semaphore(%arg12 : memref<!tpu.dma_semaphore, #tpu.memory_space<semaphore_mem>>) src(%dma_wait3A_156 : memref<1000000x64xf32, #tpu.memory_space<hbm>>) dst(%dma_wait3A_150 : memref<128x64xf32, #tpu.memory_space<vmem>>)
    %dma_wait3A_157 = arith.constant 2 : i32
    %dma_wait3A_158 = arith.constant 2 : i32
    %dma_wait3A_159 = arith.constant 0 : i32
    %dma_wait3A_160 = arith.constant 0 : i32
    %dma_wait3A_161 = tpu.memref_slice %arg11[%dma_wait3A_158, %dma_wait3A_159, %dma_wait3A_160] : memref<4x128x32xf32, #tpu.memory_space<vmem>> -> memref<1x128x32xf32, #tpu.memory_space<vmem>>
    %dma_wait3A_162 = tpu.memref_squeeze %dma_wait3A_161 : memref<1x128x32xf32, #tpu.memory_space<vmem>> -> memref<128x32xf32, #tpu.memory_space<vmem>>
    %dma_wait3A_163 = arith.constant 0 : i32
    %dma_wait3A_164 = tpu.memref_slice %arg9[%dma_wait3A_157, %dma_wait3A_163] : memref<4x128xi32, #tpu.memory_space<vmem>> -> memref<1x128xi32, #tpu.memory_space<vmem>>
    %dma_wait3A_165 = tpu.memref_squeeze %dma_wait3A_164 : memref<1x128xi32, #tpu.memory_space<vmem>> -> memref<128xi32, #tpu.memory_space<vmem>>
    %dma_wait3A_166 = arith.constant 0 : i32
    %dma_wait3A_167 = arith.constant 0 : i32
    %dma_wait3A_168 = tpu.memref_slice %arg3[%dma_wait3A_166, %dma_wait3A_167] : memref<100000x32xf32, #tpu.memory_space<hbm>> -> memref<100000x32xf32, #tpu.memory_space<hbm>>
    tpu.wait_indirect_dma semaphore(%arg13 : memref<!tpu.dma_semaphore, #tpu.memory_space<semaphore_mem>>) src(%dma_wait3A_168 : memref<100000x32xf32, #tpu.memory_space<hbm>>) dst(%dma_wait3A_162 : memref<128x32xf32, #tpu.memory_space<vmem>>)
    %dma_wait3A_169 = arith.constant 3 : i32
    %dma_wait3A_170 = arith.constant 3 : i32
    %dma_wait3A_171 = arith.constant 0 : i32
    %dma_wait3A_172 = arith.constant 0 : i32
    %dma_wait3A_173 = tpu.memref_slice %arg10[%dma_wait3A_170, %dma_wait3A_171, %dma_wait3A_172] : memref<4x128x64xf32, #tpu.memory_space<vmem>> -> memref<1x128x64xf32, #tpu.memory_space<vmem>>
    %dma_wait3A_174 = tpu.memref_squeeze %dma_wait3A_173 : memref<1x128x64xf32, #tpu.memory_space<vmem>> -> memref<128x64xf32, #tpu.memory_space<vmem>>
    %dma_wait3A_175 = arith.constant 0 : i32
    %dma_wait3A_176 = tpu.memref_slice %arg8[%dma_wait3A_169, %dma_wait3A_175] : memref<4x128xi32, #tpu.memory_space<vmem>> -> memref<1x128xi32, #tpu.memory_space<vmem>>
    %dma_wait3A_177 = tpu.memref_squeeze %dma_wait3A_176 : memref<1x128xi32, #tpu.memory_space<vmem>> -> memref<128xi32, #tpu.memory_space<vmem>>
    %dma_wait3A_178 = arith.constant 0 : i32
    %dma_wait3A_179 = arith.constant 0 : i32
    %dma_wait3A_180 = tpu.memref_slice %arg2[%dma_wait3A_178, %dma_wait3A_179] : memref<1000000x64xf32, #tpu.memory_space<hbm>> -> memref<1000000x64xf32, #tpu.memory_space<hbm>>
    tpu.wait_indirect_dma semaphore(%arg12 : memref<!tpu.dma_semaphore, #tpu.memory_space<semaphore_mem>>) src(%dma_wait3A_180 : memref<1000000x64xf32, #tpu.memory_space<hbm>>) dst(%dma_wait3A_174 : memref<128x64xf32, #tpu.memory_space<vmem>>)
    %dma_wait3A_181 = arith.constant 3 : i32
    %dma_wait3A_182 = arith.constant 3 : i32
    %dma_wait3A_183 = arith.constant 0 : i32
    %dma_wait3A_184 = arith.constant 0 : i32
    %dma_wait3A_185 = tpu.memref_slice %arg11[%dma_wait3A_182, %dma_wait3A_183, %dma_wait3A_184] : memref<4x128x32xf32, #tpu.memory_space<vmem>> -> memref<1x128x32xf32, #tpu.memory_space<vmem>>
    %dma_wait3A_186 = tpu.memref_squeeze %dma_wait3A_185 : memref<1x128x32xf32, #tpu.memory_space<vmem>> -> memref<128x32xf32, #tpu.memory_space<vmem>>
    %dma_wait3A_187 = arith.constant 0 : i32
    %dma_wait3A_188 = tpu.memref_slice %arg9[%dma_wait3A_181, %dma_wait3A_187] : memref<4x128xi32, #tpu.memory_space<vmem>> -> memref<1x128xi32, #tpu.memory_space<vmem>>
    %dma_wait3A_189 = tpu.memref_squeeze %dma_wait3A_188 : memref<1x128xi32, #tpu.memory_space<vmem>> -> memref<128xi32, #tpu.memory_space<vmem>>
    %dma_wait3A_190 = arith.constant 0 : i32
    %dma_wait3A_191 = arith.constant 0 : i32
    %dma_wait3A_192 = tpu.memref_slice %arg3[%dma_wait3A_190, %dma_wait3A_191] : memref<100000x32xf32, #tpu.memory_space<hbm>> -> memref<100000x32xf32, #tpu.memory_space<hbm>>
    tpu.wait_indirect_dma semaphore(%arg13 : memref<!tpu.dma_semaphore, #tpu.memory_space<semaphore_mem>>) src(%dma_wait3A_192 : memref<100000x32xf32, #tpu.memory_space<hbm>>) dst(%dma_wait3A_186 : memref<128x32xf32, #tpu.memory_space<vmem>>)
    "tpu.region"() ({
      %run_scoped3A = tpu.sem_alloc : memref<!tpu.dma_semaphore, #tpu.memory_space<semaphore_mem>>
      %dma_start3A_193 = arith.constant 0 : i32
      %dma_start3A_194 = arith.constant 0 : i32
      %dma_start3A_195 = tpu.memref_slice %arg6[%mul3A_2, %dma_start3A_193, %dma_start3A_194] : memref<128x128x64xf32, #tpu.memory_space<hbm>> -> memref<4x128x64xf32, #tpu.memory_space<hbm>>
      %dma_start3A_196 = arith.constant 0 : i32
      %dma_start3A_197 = arith.constant 0 : i32
      %dma_start3A_198 = tpu.memref_slice %arg6[%mul3A_2, %dma_start3A_196, %dma_start3A_197] : memref<128x128x64xf32, #tpu.memory_space<hbm>> -> memref<4x128x64xf32, #tpu.memory_space<hbm>>
      tpu.enqueue_dma source(%arg10 : memref<4x128x64xf32, #tpu.memory_space<vmem>>) target(%dma_start3A_198 : memref<4x128x64xf32, #tpu.memory_space<hbm>>) target_semaphore(%run_scoped3A : memref<!tpu.dma_semaphore, #tpu.memory_space<semaphore_mem>>)
      %dma_wait3A_199 = arith.constant 0 : i32
      %dma_wait3A_200 = arith.constant 0 : i32
      %dma_wait3A_201 = tpu.memref_slice %arg6[%mul3A_2, %dma_wait3A_199, %dma_wait3A_200] : memref<128x128x64xf32, #tpu.memory_space<hbm>> -> memref<4x128x64xf32, #tpu.memory_space<hbm>>
      %dma_wait3A_202 = arith.constant 0 : i32
      %dma_wait3A_203 = arith.constant 0 : i32
      %dma_wait3A_204 = tpu.memref_slice %arg6[%mul3A_2, %dma_wait3A_202, %dma_wait3A_203] : memref<128x128x64xf32, #tpu.memory_space<hbm>> -> memref<4x128x64xf32, #tpu.memory_space<hbm>>
      tpu.wait_dma2 semaphore(%run_scoped3A : memref<!tpu.dma_semaphore, #tpu.memory_space<semaphore_mem>>) src(%arg10 : memref<4x128x64xf32, #tpu.memory_space<vmem>>) dst(%dma_wait3A_204 : memref<4x128x64xf32, #tpu.memory_space<hbm>>)
      tpu.yield
    }) : () -> ()
    "tpu.region"() ({
      %run_scoped3A = tpu.sem_alloc : memref<!tpu.dma_semaphore, #tpu.memory_space<semaphore_mem>>
      %dma_start3A_193 = arith.constant 0 : i32
      %dma_start3A_194 = arith.constant 0 : i32
      %dma_start3A_195 = tpu.memref_slice %arg7[%mul3A_2, %dma_start3A_193, %dma_start3A_194] : memref<128x128x32xf32, #tpu.memory_space<hbm>> -> memref<4x128x32xf32, #tpu.memory_space<hbm>>
      %dma_start3A_196 = arith.constant 0 : i32
      %dma_start3A_197 = arith.constant 0 : i32
      %dma_start3A_198 = tpu.memref_slice %arg7[%mul3A_2, %dma_start3A_196, %dma_start3A_197] : memref<128x128x32xf32, #tpu.memory_space<hbm>> -> memref<4x128x32xf32, #tpu.memory_space<hbm>>
      tpu.enqueue_dma source(%arg11 : memref<4x128x32xf32, #tpu.memory_space<vmem>>) target(%dma_start3A_198 : memref<4x128x32xf32, #tpu.memory_space<hbm>>) target_semaphore(%run_scoped3A : memref<!tpu.dma_semaphore, #tpu.memory_space<semaphore_mem>>)
      %dma_wait3A_199 = arith.constant 0 : i32
      %dma_wait3A_200 = arith.constant 0 : i32
      %dma_wait3A_201 = tpu.memref_slice %arg7[%mul3A_2, %dma_wait3A_199, %dma_wait3A_200] : memref<128x128x32xf32, #tpu.memory_space<hbm>> -> memref<4x128x32xf32, #tpu.memory_space<hbm>>
      %dma_wait3A_202 = arith.constant 0 : i32
      %dma_wait3A_203 = arith.constant 0 : i32
      %dma_wait3A_204 = tpu.memref_slice %arg7[%mul3A_2, %dma_wait3A_202, %dma_wait3A_203] : memref<128x128x32xf32, #tpu.memory_space<hbm>> -> memref<4x128x32xf32, #tpu.memory_space<hbm>>
      tpu.wait_dma2 semaphore(%run_scoped3A : memref<!tpu.dma_semaphore, #tpu.memory_space<semaphore_mem>>) src(%arg11 : memref<4x128x32xf32, #tpu.memory_space<vmem>>) dst(%dma_wait3A_204 : memref<4x128x32xf32, #tpu.memory_space<hbm>>)
      tpu.yield
    }) : () -> ()
    return
  }
}

module attributes {stable_mosaic.version = 14 : i64} {
  func.func @_score_body(%arg0: memref<16384x64xf32, #tpu.memory_space<vmem>>, %arg1: memref<16384x32xf32, #tpu.memory_space<vmem>>, %arg2: memref<64x32xf32, #tpu.memory_space<vmem>>, %arg3: memref<1x1xf32, #tpu.memory_space<vmem>>, %arg4: memref<16384x1xf32, #tpu.memory_space<vmem>>) attributes {dimension_semantics = [], scalar_prefetch = 0 : i64, scratch_operands = 0 : i64, tpu.core_type = #tpu.core_type<tc>} {
    %get3A = arith.constant 0 : index
    %get3A_0 = arith.constant 0 : index
    %get3A_1 = vector.load %arg0[%get3A, %get3A_0] : memref<16384x64xf32, #tpu.memory_space<vmem>>, vector<16384x64xf32>
    %get3A_2 = arith.constant 0 : index
    %get3A_3 = arith.constant 0 : index
    %get3A_4 = vector.load %arg2[%get3A_2, %get3A_3] : memref<64x32xf32, #tpu.memory_space<vmem>>, vector<64x32xf32>
    %dot_general3A = arith.constant dense<0.000000e+00> : vector<16384x32xf32>
    %dot_general3A_5 = tpu.matmul %get3A_1, %get3A_4, %dot_general3A {dimension_numbers = #tpu.dot_dimension_numbers<[1], [0], [0], [1], [0, 0, 1, 1], [], []>, transpose_lhs_hint = false} : vector<16384x64xf32>, vector<64x32xf32>, vector<16384x32xf32> -> vector<16384x32xf32>
    %get3A_6 = arith.constant 0 : index
    %get3A_7 = arith.constant 0 : index
    %get3A_8 = vector.load %arg1[%get3A_6, %get3A_7] : memref<16384x32xf32, #tpu.memory_space<vmem>>, vector<16384x32xf32>
    %sub3A = arith.subf %dot_general3A_5, %get3A_8 : vector<16384x32xf32>
    %get3A_9 = arith.constant 0 : index
    %get3A_10 = arith.constant 0 : index
    %get3A_11 = vector.load %arg3[%get3A_9, %get3A_10] : memref<1x1xf32, #tpu.memory_space<vmem>>, vector<1x1xf32>
    %get3A_12 = vector.extract %get3A_11[0, 0] : f32 from vector<1x1xf32>
    %mul3A = arith.mulf %sub3A, %sub3A : vector<16384x32xf32>
    %reduce_sum3A = arith.constant dense<0.000000e+00> : vector<16384xf32>
    %reduce_sum3A_13 = vector.multi_reduction <add>, %mul3A, %reduce_sum3A [1] : vector<16384x32xf32> to vector<16384xf32>
    %broadcast_in_dim3A = vector.shape_cast %reduce_sum3A_13 : vector<16384xf32> to vector<16384x1xf32>
    %sqrt3A = math.sqrt %broadcast_in_dim3A : vector<16384x1xf32>
    %sub3A_14 = vector.broadcast %get3A_12 : f32 to vector<16384x1xf32>
    %sub3A_15 = arith.subf %sub3A_14, %sqrt3A : vector<16384x1xf32>
    %swap3A = arith.constant 0 : index
    %swap3A_16 = arith.constant 0 : index
    %swap3A_17 = vector.load %arg4[%swap3A, %swap3A_16] : memref<16384x1xf32, #tpu.memory_space<vmem>>, vector<16384x1xf32>
    tpu.vector_store %arg4[%swap3A, %swap3A_16], %sub3A_15 {strides = array<i32>} : memref<16384x1xf32, #tpu.memory_space<vmem>>, vector<16384x1xf32>,
    return
  }
}

</mosaic_0001>

<sc_bundles>
// kernel: kernel.4.cloned.1.call-start
scs
__scs_entry_jumppad:
0x0: {  	(pc) =	sbr.rel $0x88, $3  }
0x1: {  	(tag) =	ssettag $0x0;
	lr =	simm.s32 $0x1  }
0x2: {  	[smem:$0x3F9C] =	sst lr;
	_ =	strace $0xD0000000  }
0x3: {  	_ = 	snop  }
0x4: {  	_ = 	snop  }
0x5: {  	_ = 	snop  }
0x6: {  	_ = 	snop  }
0x7: {  	_ = 	snop  }
__scs_overlays_trampoline_lowered:
0x8: {  	[smem:$0x3FAB] =	sst s0  }
0x9: {  	[smem:$0x3FAC] =	sst s1  }
0xa: {  	[smem:$0x3FAD] =	sst s2  }
0xb: {  	[smem:$0x3FAE] =	sst s3  }
0xc: {  	[smem:$0x3FAF] =	sst s4  }
0xd: {  	[smem:$0x3FB0] =	sst s5  }
0xe: {  	[smem:$0x3FB1] =	sst s6  }
0xf: {  	[smem:$0x3FB2] =	sst s7  }
0x10: {  	[smem:$0x3FB3] =	sst s8  }
0x11: {  	[smem:$0x3FB4] =	sst s9;
	s0 =	simm.s32 @!p0 $0x0  }
0x12: {  	s1 =	sld [smem:$0x3F9A];
	s0 =	simm.s32 @p0 $0x1  }
0x13: {  	[smem:$0x3FB5] =	sst s0;
	s0 =	simm.s32 @!p1 $0x0  }
0x14: {  	s2 =	sld [smem:$0x3F99];
	s0 =	simm.s32 @p1 $0x1  }
0x15: {  	[smem:$0x3FB6] =	sst s0;
	s0 =	simm.s32 @!p2 $0x0  }
0x16: {  	s3 =	sld [smem:$0x3FDB];
	s0 =	simm.s32 @p2 $0x1  }
0x17: {  	s4 =	simm.s32 $0x1BF5;
	[smem:$0x3FB8] =	sst s0  }
0x18: {  	s0 =	sld [smem:$0x3F9B];
	_ =	swait.ge [sflag:s4], $0x0  }
0x19: {  	s7 =	sld [smem:$0x3F9C]  }
0x1a: {  	s8 =	sadd.s32 $0xFFFFE003, lr  }
0x1b: {  	s9 =	sadd.s32 $0xFFFFFEF7, lr;
	s5 =	simm.s32 $0xFFFFFFFF;
	p2 =	slt.u32 s8, $0xFFFFF086  }
0x1c: {  	p1 =	slt.u32 s9, $0xF7A;
	s5 =	simm.s32 @!p2 $0x0  }
0x1d: {  	s5 =	simm.s32 @p1 $0x1;
	p0 =	seq.s32 s7, s2  }
0x1e: {  	s7 =	smul.u32 @!p0 $0xF7A, s2;
	p2 =	seq.s32 @!p0 s5, $0x0  }
0x1f: {  	s9 =	smul.u32 $0xF7A, s1;
	s8 =	simm.s32 @!p0 $0x1BF5;
	p2 =	por !p2, p0  }
0x20: {  	[sflag:s8] =	ssyncset.s32 @!p0 $0xFFFFF086;
	s6 =	sadd.s32 @!p0 s3, s7;
	s7 =	simm.s32 @!p0 $0x108  }
0x21: {  	s3 =	sadd.s32 s3, s9;
	s6 =	sadd.s32 @!p0 $0x88, s6;
	s7 =	simm.s32 @p2 $0x1082  }
0x22: {  	[simem:s7], [sflag:s8] =	dma.local @!p0 [hbm:s6], $0xF7A  }
0x23: {  	s9 =	sor.u32 $0xD0000000, s2;
	s6 =	simm.s32 $0x108;
	_ =	swait.ge @!p0 [sflag:s8], $0x0  }
0x24: {  	s3 =	sadd.s32 $0x88, s3;
	s6 =	simm.s32 @!p1 $0x1082;
	[sflag:s4] =	ssyncset.s32 $0xFFFFF086  }
0x25: {  	[simem:s6], [sflag:s4] =	dma.local [hbm:s3], $0xF7A  }
0x26: {  	[smem:$0x3F9C] =	sst s1;
	(tag) =	ssettag s2;
	_ =	strace s9  }
0x27: {  	s1 =	sld [smem:$0x3FAC]  }
0x28: {  	s2 =	sld [smem:$0x3FAD]  }
0x29: {  	s4 =	sld [smem:$0x3FAF]  }
0x2a: {  	p0 =	seq.s32 s5, $0x0;
	s5 =	sld [smem:$0x3FB0]  }
0x2b: {  	s6 =	sld [smem:$0x3FB1]  }
0x2c: {  	s7 =	sld [smem:$0x3FB2]  }
0x2d: {  	s3 =	simm.s32 $0x108;
	s8 =	sld [smem:$0x3FB3]  }
0x2e: {  	s3 =	simm.s32 @!p0 $0x1082;
	s9 =	sld [smem:$0x3FB4]  }
0x2f: {  	lr =	sadd.s32 s0, s3;
	s0 =	sld [smem:$0x3FAB]  }
0x30: {  	s3 =	sld [smem:$0x3FAE]  }
0x31: {  	[smem:$0x3FB7] =	sst s10  }
0x32: {  	s10 =	sld [smem:$0x3FB5];
	_ =	sdelay $0x3  }
0x33: {  	p0 =	seq.s32 s10, $0x1;
	s10 =	sld [smem:$0x3FB7];
	_ =	sdelay $0x3  }
0x34: {  	[smem:$0x3FB7] =	sst s10  }
0x35: {  	s10 =	sld [smem:$0x3FB6];
	_ =	sdelay $0x3  }
0x36: {  	p1 =	seq.s32 s10, $0x1;
	s10 =	sld [smem:$0x3FB7];
	_ =	sdelay $0x3  }
0x37: {  	[smem:$0x3FB7] =	sst s10  }
0x38: {  	s10 =	sld [smem:$0x3FB8]  }
0x39: {  	_ = 	snop;
	(pc) =	sbr.ind lr, $3  }
0x3a: {  	_ = 	snop  }
0x3b: {  	_ = 	snop  }
0x3c: {  	p2 =	seq.s32 s10, $0x1;
	s10 =	sld [smem:$0x3FB7]  }
0x3d: {  	_ =	shalt  }
0x3e: {  	_ =	shalt  }
0x3f: {  	_ =	shalt  }
0x40: {  	_ =	shalt  }
0x41: {  	_ =	shalt  }
0x42: {  	_ =	shalt  }
0x43: {  	_ =	shalt  }
0x44: {  	_ =	shalt  }
0x45: {  	_ =	shalt  }
0x46: {  	_ =	shalt  }
0x47: {  	_ =	shalt  }
0x48: {  	_ =	shalt  }
0x49: {  	_ =	shalt  }
0x4a: {  	_ =	shalt  }
0x4b: {  	_ =	shalt  }
0x4c: {  	_ =	shalt  }
0x4d: {  	_ =	shalt  }
0x4e: {  	_ =	shalt  }
0x4f: {  	_ =	shalt  }
0x50: {  	_ =	shalt  }
0x51: {  	_ =	shalt  }
0x52: {  	_ =	shalt  }
0x53: {  	_ =	shalt  }
0x54: {  	_ =	shalt  }
0x55: {  	_ =	shalt  }
0x56: {  	_ =	shalt  }
0x57: {  	_ =	shalt  }
0x58: {  	_ =	shalt  }
0x59: {  	_ =	shalt  }
0x5a: {  	_ =	shalt  }
0x5b: {  	_ =	shalt  }
0x5c: {  	_ =	shalt  }
0x5d: {  	_ =	shalt  }
0x5e: {  	_ =	shalt  }
0x5f: {  	_ =	shalt  }
0x60: {  	_ =	shalt  }
0x61: {  	_ =	shalt  }
0x62: {  	_ =	shalt  }
0x63: {  	_ =	shalt  }
0x64: {  	_ =	shalt  }
0x65: {  	_ =	shalt  }
0x66: {  	_ =	shalt  }
0x67: {  	_ =	shalt  }
0x68: {  	_ =	shalt  }
0x69: {  	_ =	shalt  }
0x6a: {  	_ =	shalt  }
0x6b: {  	_ =	shalt  }
0x6c: {  	_ =	shalt  }
0x6d: {  	_ =	shalt  }
0x6e: {  	_ =	shalt  }
0x6f: {  	_ =	shalt  }
0x70: {  	_ =	shalt  }
0x71: {  	_ =	shalt  }
0x72: {  	_ =	shalt  }
0x73: {  	_ =	shalt  }
0x74: {  	_ =	shalt  }
0x75: {  	_ =	shalt  }
0x76: {  	_ =	shalt  }
0x77: {  	_ =	shalt  }
0x78: {  	_ =	shalt  }
0x79: {  	_ =	shalt  }
0x7a: {  	_ =	shalt  }
0x7b: {  	_ =	shalt  }
0x7c: {  	_ =	shalt  }
0x7d: {  	_ =	shalt  }
0x7e: {  	_ =	shalt  }
0x7f: {  	_ =	shalt  }
0x80: {  	_ =	shalt  }
0x81: {  	_ =	shalt  }
0x82: {  	_ =	shalt  }
0x83: {  	_ =	shalt  }
0x84: {  	_ =	shalt  }
0x85: {  	_ =	shalt  }
0x86: {  	_ =	shalt  }
0x87: {  	_ =	shalt  }
.Lfunc_end0:
.L_simem_size_0:
called_computation_lowered:
.L_overlay_start_0:
0x88: {  	s2 =	sld [smem:$0x3FD9]  }
0x89: {  	s3 =	sld [smem:$0x3FFE];
	_ =	sdelay $0x1  }
0x8a: {  	s1 =	srdreg.scid  }
0x8b: {  	s0 =	sand.u32 $0x1, s1  }
0x8c: {  	s17 =	sshll.u32 s0, $0xA;
	s2 =	sadd.s32 s3, s2  }
0x8d: {  	s2 =	sadd.s32 s2, s17  }
0x8e: {  	[smem:$0x3FC3] =	sst s2  }
0x8f: {  	_ = 	snop  }
0x90: {  	s2 =	sld [smem:$0x3FD0];
	(tm) =	ssettm $0x1  }
0x91: {  	s18 =	sld [smem:$0x3FFB];
	_ =	sdelay $0x3  }
0x92: {  	_ =	strace s18  }
0x93: {  	s3 =	sld [smem:$0x3FFC];
	_ =	sdelay $0x3  }
0x94: {  	_ =	strace s3  }
0x95: {  	s3 =	sld [smem:$0x3FFD];
	_ =	sdelay $0x3  }
0x96: {  	_ =	strace s3  }
0x97: {  	_ =	strace $0x8FFFFFFF  }
0x98: {  	s19 =	sld [smem:$0x3FDB];
	_ =	sdelay $0x1  }
0x99: {  	s4 =	simm.s32 $_scs_section_size  }
0x9a: {  	s5 =	simm.s32 $_size__tile_overlayer_lowered;
	s6 =	simm.s32 $_tile_overlayer_lowered  }
0x9b: {  	s22 =	simm.s32 $0x1BFF;
	s21 =	sshll.u32 s6, $0x1;
	s3 =	sadd.s32 s4, s19  }
0x9c: {  	s7 =	simm.s32 $0x0;
	s20 =	sshll.u32 s5, $0x1;
	s5 =	sadd.s32 s21, s3  }
0x9d: {  	[timem:s7], [sflag:s22] =	dma.local [hbm:s5], s20  }
0x9e: {  	_ =	swait.ge [sflag:s22], s20  }
0x9f: {  	s4 =	ssub.s32 $0x0, s20;
	[sflag:s22] =	ssyncset.done $0x0  }
0xa0: {  	[sflag:s22] =	ssyncadd.s32 s4;
	_ =	sdelay $0x1  }
0xa1: {  	s23 =	simm.s32 $0x1B8B  }
0xa2: {  	_ =	swait.ge [sflag:s23], $0x1  }
0xa3: {  	[sflag:s23] =	ssyncset.done $0x0  }
0xa4: {  	s25 =	simm.s32 $0x1B8E;
	s24 =	sld [smem:$0x3FFE];
	[sflag:s23] =	ssyncadd.s32 $0xFFFFFFFF  }
0xa5: {  	s26 =	simm.s32 $execute0_lowered;
	[smem:$0x3FD2] =	sst s25  }
0xa6: {  	s5 =	sshll.u32 s26, $0x1;
	_ =	strace $0x80000046;
	[dreg:$0x1] =	wrdreg $0xFFFFFFFF  }
0xa7: {  	s28 =	simm.s32 $_size_execute0_lowered;
	s3 =	sadd.s32 s3, s5;
	[dreg:$0x0] =	wrdreg $0x0  }
0xa8: {  	s5 =	sshll.u32 s28, $0x1;
	[dreg:$0x2] =	wrdreg s3  }
0xa9: {  	[dreg:$0x3] =	wrdreg s5  }
0xaa: {  	[dreg:$0x4] =	wrdreg $0xC0  }
0xab: {  	_ =	task [dreg:s7], $0x5FFFF  }
0xac: {  	[dreg:$0x1] =	wrdreg $0xFFFFFFFF  }
0xad: {  	[dreg:$0x0] =	wrdreg $0x60  }
0xae: {  	[dreg:$0x2] =	wrdreg s24  }
0xaf: {  	[dreg:$0x3] =	wrdreg s2  }
0xb0: {  	[dreg:$0x4] =	wrdreg $0x9  }
0xb1: {  	_ =	task.clear_ibuf [dreg:s7], $0x5FFFF;
	_ =	strace $0x90000046  }
0xb2: {  	s29 =	simm.s32 $0x9;
	_ =	strace $0x80000048  }
0xb3: {  	_ =	swait.ge [sflag:s29], $0x1  }
0xb4: {  	[sflag:s29] =	ssyncadd.s32 $0xFFFFFFFF  }
0xb5: {  	_ =	strace $0x90000048  }
0xb6: {  	_ =	sfence  }
0xb7: {  	s30 =	sld [smem:$0x0];
	_ =	sdelay $0x2  }
0xb8: {  	s31 =	sshll.u32 s1, $0xD;
	s1 =	sshrl.u32 s1, $0x2  }
0xb9: {  	s3 =	sand.u32 $0x4000, s31;
	s1 =	sadd.s32 s1, s30  }
0xba: {  	s0 =	sor.u32 s3, s0;
	s1 =	sshll.u32 s1, $0x11  }
0xbb: {  	s0 =	sor.u32 s1, s0  }
0xbc: {  	s0 =	sadd.s32 $0x8F2B, s0  }
0xbd: {  	[sflag:s0] =	ssyncadd.remote.s32 $0x1  }
0xbe: {  	_ =	sfence.sel $0xFFFF  }
0xbf: {  	[dreg:$0x0] =	wrdreg $0xFFFFFFFF;
	(pc) =	sbr.abs _section_cstart, $3  }
0xc0: {  	[dreg:$0x1] =	wrdreg $0xFFFFFFFF  }
0xc1: {  	_ =	task.clear_ibuf [dreg:s7], $0x2FFFF;
	_ =	strace $0x9FFFFFFF  }
0xc2: {  	(tm) =	ssettm $0x7FFFFFFF  }
0xc3: {  	_ =	shalt  }
tec
execute0_lowered:
.L_overlay_start_1:
0x0: {  	(tag) =	ssettag $0x1  }
0x1: {  	s1 =	srdreg.scid  }
0x2: {  	s0 =	stileid.u32;
	s25 =	sand.u32 $0x1, s1  }
0x3: {  	s26 =	rddreg [dreg:$0x0];
	s30 =	sshll.u32 s0, $0x3;
	s2 =	sshll.u32 s25, $0x2  }
0x4: {  	s5 =	rddreg [dreg:$0x1];
	s28 =	sor.u32 s2, s30  }
0x5: {  	s1 =	rddreg [dreg:$0x2];
	s2 =	simm.s32 $0x0;
	s6 =	sshll.u32 s28, $0x4  }
0x6: {  	[smem:$0x7FF] =	sst s2;
	s3 =	sadd.s32 s6, s26  }
0x7: {  	_ =	strace $0x80000047;
	s4 =	sadd.s32 $0x1200, s3;
	s3 =	simm.s32 $0x3  }
0x8: {  	[tilespmem:s2], [sflag:$0x3] =	stream.linear.gather [hbm4b:s4+s2], $0x200, $0x38;
	[tilespmem:$0xC400] =	vst v63  }
0x9: {  	_ =	swait.ge [sflag:s3], $0x200  }
0xa: {  	[sflag:s3] =	ssyncset.done $0x0  }
0xb: {  	s5 =	sadd.s32 s5, s6;
	s6 =	simm.s32 $0x200;
	[sflag:s3] =	ssyncadd.s32 $0xFFFFFE00  }
0xc: {  	[tilespmem:s6], [sflag:$0x3] =	stream.linear.gather [hbm4b:s5+s2], $0x200, $0x38;
	[tilespmem:$0xC400] =	vst v63  }
0xd: {  	_ =	swait.ge [sflag:s3], $0x200  }
0xe: {  	s8 =	simm.s32 $0x80;
	[sflag:s3] =	ssyncset.done $0x0  }
0xf: {  	s9 =	simm.s32 $0x400;
	s7 =	sadd.s32 $0xF43600, s26;
	[sflag:s3] =	ssyncadd.s32 $0xFFFFFE00  }
0x10: {  	[tilespmem:s9], [sflag:$0x1] =	stream.indirect.gather [hbm4b:s7+s8], $0x40, s2, s8, $0xb8;
	[tilespmem:$0xC400] =	vst v63  }
0x11: {  	s11 =	simm.s32 $0x8400;
	s10 =	sadd.s32 $0x187C00, s26  }
0x12: {  	[tilespmem:s11], [sflag:$0x2] =	stream.indirect.gather [hbm4b:s10+s8], $0x20, s6, s8, $0xb8;
	[tilespmem:$0xC400] =	vst v63  }
0x13: {  	s12 =	simm.s32 $0x2400  }
0x14: {  	[tilespmem:s12], [sflag:$0x1] =	stream.indirect.gather [hbm4b:s7+s8], $0x40, s8, s8, $0xb8;
	[tilespmem:$0xC400] =	vst v63  }
0x15: {  	s13 =	simm.s32 $0x280;
	s14 =	simm.s32 $0x9400  }
0x16: {  	[tilespmem:s14], [sflag:$0x2] =	stream.indirect.gather [hbm4b:s10+s8], $0x20, s13, s8, $0xb8;
	[tilespmem:$0xC400] =	vst v63  }
0x17: {  	s15 =	simm.s32 $0x100;
	s16 =	simm.s32 $0x4400  }
0x18: {  	[tilespmem:s16], [sflag:$0x1] =	stream.indirect.gather [hbm4b:s7+s8], $0x40, s15, s8, $0xb8;
	[tilespmem:$0xC400] =	vst v63  }
0x19: {  	s17 =	simm.s32 $0x300;
	s18 =	simm.s32 $0xA400  }
0x1a: {  	[tilespmem:s18], [sflag:$0x2] =	stream.indirect.gather [hbm4b:s10+s8], $0x20, s17, s8, $0xb8;
	[tilespmem:$0xC400] =	vst v63  }
0x1b: {  	s19 =	simm.s32 $0x180;
	s20 =	simm.s32 $0x6400  }
0x1c: {  	[tilespmem:s20], [sflag:$0x1] =	stream.indirect.gather [hbm4b:s7+s8], $0x40, s19, s8, $0xb8;
	[tilespmem:$0xC400] =	vst v63  }
0x1d: {  	s21 =	simm.s32 $0x380;
	s22 =	simm.s32 $0xB400;
	s23 =	simm.s32 $0x1  }
0x1e: {  	[tilespmem:s22], [sflag:$0x2] =	stream.indirect.gather [hbm4b:s10+s8], $0x20, s21, s8, $0xb8;
	[tilespmem:$0xC400] =	vst v63  }
0x1f: {  	_ =	swait.ge [sflag:s23], $0x2000  }
0x20: {  	[sflag:s23] =	ssyncset.done $0x0  }
0x21: {  	s24 =	simm.s32 $0x2;
	[sflag:s23] =	ssyncadd.s32 $0xFFFFE000  }
0x22: {  	_ =	swait.ge [sflag:s24], $0x1000  }
0x23: {  	[sflag:s24] =	ssyncset.done $0x0  }
0x24: {  	[sflag:s24] =	ssyncadd.s32 $0xFFFFF000  }
0x25: {  	_ =	swait.ge [sflag:s23], $0x2000  }
0x26: {  	[sflag:s23] =	ssyncset.done $0x0  }
0x27: {  	[sflag:s23] =	ssyncadd.s32 $0xFFFFE000  }
0x28: {  	_ =	swait.ge [sflag:s24], $0x1000  }
0x29: {  	[sflag:s24] =	ssyncset.done $0x0  }
0x2a: {  	[sflag:s24] =	ssyncadd.s32 $0xFFFFF000  }
0x2b: {  	_ =	swait.ge [sflag:s23], $0x2000  }
0x2c: {  	[sflag:s23] =	ssyncset.done $0x0  }
0x2d: {  	[sflag:s23] =	ssyncadd.s32 $0xFFFFE000  }
0x2e: {  	_ =	swait.ge [sflag:s24], $0x1000  }
0x2f: {  	[sflag:s24] =	ssyncset.done $0x0  }
0x30: {  	[sflag:s24] =	ssyncadd.s32 $0xFFFFF000  }
0x31: {  	_ =	swait.ge [sflag:s23], $0x2000  }
0x32: {  	s30 =	ssub.s32 $0x2, s25;
	[sflag:s23] =	ssyncset.done $0x0  }
0x33: {  	s29 =	sshll.u32 s28, $0xA;
	s28 =	sshll.u32 s28, $0x9;
	[sflag:s23] =	ssyncadd.s32 $0xFFFFE000  }
0x34: {  	s31 =	sshrl.u32 s30, $0x1;
	s29 =	sadd.s32 s29, s26;
	_ =	swait.ge [sflag:s24], $0x1000  }
0x35: {  	s26 =	sadd.s32 s28, s26;
	s28 =	ssub.s32 s30, s31;
	[sflag:s24] =	ssyncset.done $0x0  }
0x36: {  	s25 =	sadd.s32 $0x1A00, s29;
	s28 =	smax.u32 s28, $0x1;
	[sflag:s24] =	ssyncadd.s32 $0xFFFFF000  }
0x37: {  	[hbm4b:s25+s2] =	stream.linear.scatter [tilespmem:s9], [sflag:$0x3], $0x8000, $0x38;
	[tilespmem:$0xC400] =	vst v63  }
0x38: {  	p0 =	sne.s32 s28, $0x1;
	_ =	swait.ge [sflag:s3], $0x8000  }
.Ltmp0:
0x39: {  	[sflag:s3] =	ssyncset.done $0x0;
	(pc) =	sbr.rel @!p0 .LBB2_2-.Ltmp0, $4  }
0x3a: {  	s26 =	sadd.s32 $0x21A00, s26;
	[sflag:s3] =	ssyncadd.s32 $0xFFFF8000  }
0x3b: {  	[hbm4b:s26+s2] =	stream.linear.scatter [tilespmem:s11], [sflag:$0x3], $0x4000, $0x38;
	[tilespmem:$0xC400] =	vst v63  }
0x3c: {  	_ =	swait.ge [sflag:s3], $0x4000  }
0x3d: {  	s28 =	sadd.s32 $0xFFFFFFFF, s28;
	[sflag:s3] =	ssyncset.done $0x0  }
.LBB2_1:
0x3e: {  	p0 =	sne.s32 s28, $0x1;
	s28 =	sadd.s32 $0xFFFFFFFF, s28;
	[sflag:s3] =	ssyncadd.s32 $0xFFFFC000  }
0x3f: {  	[tilespmem:s2], [sflag:$0x3] =	stream.linear.gather [hbm4b:s4+s2], $0x200, $0x38;
	[tilespmem:$0xC400] =	vst v63  }
0x40: {  	_ =	swait.ge [sflag:s3], $0x200  }
0x41: {  	[sflag:s3] =	ssyncset.done $0x0  }
0x42: {  	[sflag:s3] =	ssyncadd.s32 $0xFFFFFE00  }
0x43: {  	[tilespmem:s6], [sflag:$0x3] =	stream.linear.gather [hbm4b:s5+s2], $0x200, $0x38;
	[tilespmem:$0xC400] =	vst v63  }
0x44: {  	_ =	swait.ge [sflag:s3], $0x200  }
0x45: {  	[sflag:s3] =	ssyncset.done $0x0  }
0x46: {  	[sflag:s3] =	ssyncadd.s32 $0xFFFFFE00  }
0x47: {  	[tilespmem:s9], [sflag:$0x1] =	stream.indirect.gather [hbm4b:s7+s8], $0x40, s2, s8, $0xb8;
	[tilespmem:$0xC400] =	vst v63  }
0x48: {  	_ = 	snop  }
0x49: {  	[tilespmem:s11], [sflag:$0x2] =	stream.indirect.gather [hbm4b:s10+s8], $0x20, s6, s8, $0xb8;
	[tilespmem:$0xC400] =	vst v63  }
0x4a: {  	_ = 	snop  }
0x4b: {  	[tilespmem:s12], [sflag:$0x1] =	stream.indirect.gather [hbm4b:s7+s8], $0x40, s8, s8, $0xb8;
	[tilespmem:$0xC400] =	vst v63  }
0x4c: {  	_ = 	snop  }
0x4d: {  	[tilespmem:s14], [sflag:$0x2] =	stream.indirect.gather [hbm4b:s10+s8], $0x20, s13, s8, $0xb8;
	[tilespmem:$0xC400] =	vst v63  }
0x4e: {  	_ = 	snop  }
0x4f: {  	[tilespmem:s16], [sflag:$0x1] =	stream.indirect.gather [hbm4b:s7+s8], $0x40, s15, s8, $0xb8;
	[tilespmem:$0xC400] =	vst v63  }
0x50: {  	_ = 	snop  }
0x51: {  	[tilespmem:s18], [sflag:$0x2] =	stream.indirect.gather [hbm4b:s10+s8], $0x20, s17, s8, $0xb8;
	[tilespmem:$0xC400] =	vst v63  }
0x52: {  	_ = 	snop  }
0x53: {  	[tilespmem:s20], [sflag:$0x1] =	stream.indirect.gather [hbm4b:s7+s8], $0x40, s19, s8, $0xb8;
	[tilespmem:$0xC400] =	vst v63  }
0x54: {  	_ = 	snop  }
0x55: {  	[tilespmem:s22], [sflag:$0x2] =	stream.indirect.gather [hbm4b:s10+s8], $0x20, s21, s8, $0xb8;
	[tilespmem:$0xC400] =	vst v63  }
0x56: {  	_ =	swait.ge [sflag:s23], $0x2000  }
0x57: {  	[sflag:s23] =	ssyncset.done $0x0  }
0x58: {  	[sflag:s23] =	ssyncadd.s32 $0xFFFFE000  }
0x59: {  	_ =	swait.ge [sflag:s24], $0x1000  }
0x5a: {  	[sflag:s24] =	ssyncset.done $0x0  }
0x5b: {  	[sflag:s24] =	ssyncadd.s32 $0xFFFFF000  }
0x5c: {  	_ =	swait.ge [sflag:s23], $0x2000  }
0x5d: {  	[sflag:s23] =	ssyncset.done $0x0  }
0x5e: {  	[sflag:s23] =	ssyncadd.s32 $0xFFFFE000  }
0x5f: {  	_ =	swait.ge [sflag:s24], $0x1000  }
0x60: {  	[sflag:s24] =	ssyncset.done $0x0  }
0x61: {  	[sflag:s24] =	ssyncadd.s32 $0xFFFFF000  }
0x62: {  	_ =	swait.ge [sflag:s23], $0x2000  }
0x63: {  	[sflag:s23] =	ssyncset.done $0x0  }
0x64: {  	[sflag:s23] =	ssyncadd.s32 $0xFFFFE000  }
0x65: {  	_ =	swait.ge [sflag:s24], $0x1000  }
0x66: {  	[sflag:s24] =	ssyncset.done $0x0  }
0x67: {  	[sflag:s24] =	ssyncadd.s32 $0xFFFFF000  }
0x68: {  	_ =	swait.ge [sflag:s23], $0x2000  }
0x69: {  	[sflag:s23] =	ssyncset.done $0x0  }
0x6a: {  	[sflag:s23] =	ssyncadd.s32 $0xFFFFE000  }
0x6b: {  	_ =	swait.ge [sflag:s24], $0x1000  }
0x6c: {  	[sflag:s24] =	ssyncset.done $0x0  }
0x6d: {  	[sflag:s24] =	ssyncadd.s32 $0xFFFFF000  }
0x6e: {  	[hbm4b:s25+s2] =	stream.linear.scatter [tilespmem:s9], [sflag:$0x3], $0x8000, $0x38;
	[tilespmem:$0xC400] =	vst v63  }
0x6f: {  	_ =	swait.ge [sflag:s3], $0x8000  }
.Ltmp1:
0x70: {  	[sflag:s3] =	ssyncset.done $0x0;
	(pc) =	sbr.rel @p0 .LBB2_1-.Ltmp1, $4  }
0x71: {  	[sflag:s3] =	ssyncadd.s32 $0xFFFF8000  }
0x72: {  	[hbm4b:s26+s2] =	stream.linear.scatter [tilespmem:s11], [sflag:$0x3], $0x4000, $0x38;
	[tilespmem:$0xC400] =	vst v63  }
0x73: {  	_ =	swait.ge [sflag:s3], $0x4000  }
0x74: {  	[sflag:s3] =	ssyncset.done $0x0  }
.LBB2_2:
0x75: {  	[sflag:s3] =	ssyncadd.s32 $0xFFFFC000  }
0x76: {  	_ =	sfence.sel $0x180000  }
0x77: {  	[bflag:$0x0] =	sbarrier.arrive $0xFFFF  }
0x78: {  	p0 =	sne.s32 s0, $0x0;
	_ =	strace $0x90000047  }
0x79: {  	s0 =	sadd.s32 @!p0 $0x100000, s1;
	[bflag:$0x2] =	sbarrier.arrive $0xFFFF  }
0x7a: {  	[sflag:s0] =	ssyncadd.tile.s32 @!p0 $0x1;
	_ =	shalt  }
.Lfunc_end2:
_tile_overlayer_lowered:
.L_overlay_start_2:
0x7b: {  	(tag) =	ssettag $0x2  }
0x7c: {  	s0 =	rddreg [dreg:$0x0];
	s2 =	stileid.u32  }
0x7d: {  	s1 =	rddreg [dreg:$0x1];
	p0 =	sne.s32 s2, $0x0  }
0x7e: {  	s3 =	rddreg [dreg:$0x2];
	[bflag:$0x3] =	sbarrier.arrive $0xFFFF;
	s2 =	simm.s32 @!p0 $0x1C03  }
0x7f: {  	[timem:s3], [sflag:s2] =	dma.local @!p0 [hbm:s0], s1  }
0x80: {  	s0 =	simm.s32 @!p0 $0x3  }
0x81: {  	_ =	swait.ge @!p0 [sflag:s0], s1  }
0x82: {  	s1 =	ssub.s32 @!p0 $0x0, s1;
	[sflag:s0] =	ssyncset.done @!p0 $0x0  }
0x83: {  	[sflag:s0] =	ssyncadd.s32 @!p0 s1  }
0x84: {  	[bflag:$0x3] =	sbarrier.arrive $0xFFFF  }
0x85: {  	_ =	shalt  }

</sc_bundles>
